<compile_context>
chip_gen: v7x
topology: tpu7x:2x2x1
jax: 0.10.2.dev20260603
libtpu: 0.0.44.dev20260713+nightly
codegen_flags: <defaults>
</compile_context>

<pallas_src>
import functools

import jax
import jax.numpy as jnp
from jax import lax
from jax.experimental import pallas as pl
from jax.experimental.pallas import tpu as pltpu
from jax.experimental.pallas import tpu_sc as plsc

_TOP_K = 8
_NE = 64
_DIN = 2048
_DOUT = 512
_NC = 2
_NS = 16
_NW = _NC * _NS
_LANES = 16


def _proto_body(dev_ref, out_ref):
    for i in range(2):
        p = jnp.sum(jnp.abs(dev_ref[i]), axis=0)
        norm = jnp.maximum(jnp.sqrt(jnp.sum(p * p)), 1e-12)
        out_ref[i, 0] = p / norm


def _score_body(proto_ref, x_ref, out_ref):
    tpw = out_ref.shape[2]
    for i in range(2):
        out_ref[i] = lax.dot_general(
            proto_ref[...], x_ref[pl.ds(i * tpw, tpw), :],
            dimension_numbers=(((1,), (1,)), ((), ())),
            preferred_element_type=jnp.float32)


def _topk_body(tpw, scores_hbm, w_hbm, i_hbm, sc_v, w_v, i_v):
    wid = lax.axis_index("s") * _NC + lax.axis_index("c")
    pltpu.sync_copy(scores_hbm.at[wid], sc_v)
    num_groups = tpw // _LANES

    def do_group(g, _):
        base = g * _LANES

        def do_expert(e, carry):
            vals = list(carry[:_TOP_K])
            idxs = list(carry[_TOP_K:])
            cur_v = sc_v[e, pl.ds(base, _LANES)]
            cur_i = jnp.full((_LANES,), e, jnp.int32)
            for j in range(_TOP_K):
                swap = cur_v > vals[j]
                nv = jnp.where(swap, cur_v, vals[j])
                ni = jnp.where(swap, cur_i, idxs[j])
                cur_v = jnp.where(swap, vals[j], cur_v)
                cur_i = jnp.where(swap, idxs[j], cur_i)
                vals[j] = nv
                idxs[j] = ni
            return tuple(vals) + tuple(idxs)

        init = tuple(jnp.full((_LANES,), -jnp.inf, jnp.float32)
                     for _ in range(_TOP_K))
        init += tuple(jnp.zeros((_LANES,), jnp.int32) for _ in range(_TOP_K))
        carry = lax.fori_loop(0, _NE, do_expert, init)
        vals = carry[:_TOP_K]
        idxs = carry[_TOP_K:]
        exps = [jnp.exp(v - vals[0]) for v in vals]
        tot = exps[0]
        for j in range(1, _TOP_K):
            tot = tot + exps[j]
        inv = 1.0 / tot
        for j in range(_TOP_K):
            w_v[j, pl.ds(base, _LANES)] = exps[j] * inv
            i_v[j, pl.ds(base, _LANES)] = idxs[j]
        return 0

    lax.fori_loop(0, num_groups, do_group, 0)
    pltpu.sync_copy(w_v, w_hbm.at[wid])
    pltpu.sync_copy(i_v, i_hbm.at[wid])


def kernel(x, expert_deviations):
    batch, seq, d_in = x.shape
    tokens = batch * seq
    tpw = tokens // _NW
    x_flat = x.reshape(tokens, d_in)

    proto = pl.pallas_call(
        _proto_body,
        grid=(_NE // 2,),
        in_specs=[pl.BlockSpec((2, _DOUT, _DIN), lambda e: (e, 0, 0))],
        out_specs=pl.BlockSpec((2, 1, _DIN), lambda e: (e, 0, 0)),
        out_shape=jax.ShapeDtypeStruct((_NE, 1, _DIN), jnp.float32),
    )(expert_deviations)
    proto = proto.reshape(_NE, _DIN)

    scores = pl.pallas_call(
        _score_body,
        grid=(_NW // 2,),
        in_specs=[pl.BlockSpec((_NE, _DIN), lambda t: (0, 0)),
                  pl.BlockSpec((2 * tpw, _DIN), lambda t: (t, 0))],
        out_specs=pl.BlockSpec((2, _NE, tpw), lambda t: (t, 0, 0)),
        out_shape=jax.ShapeDtypeStruct((_NW, _NE, tpw), jnp.float32),
    )(proto, x_flat)

    topk = pl.kernel(
        functools.partial(_topk_body, tpw),
        out_type=[jax.ShapeDtypeStruct((_NW, _TOP_K, tpw), jnp.float32),
                  jax.ShapeDtypeStruct((_NW, _TOP_K, tpw), jnp.int32)],
        mesh=plsc.VectorSubcoreMesh(core_axis_name="c", subcore_axis_name="s"),
        scratch_types=[pltpu.VMEM((_NE, tpw), jnp.float32),
                       pltpu.VMEM((_TOP_K, tpw), jnp.float32),
                       pltpu.VMEM((_TOP_K, tpw), jnp.int32)],
    )
    w3, i3 = topk(scores)

    router_weights = w3.transpose(0, 2, 1).reshape(batch, seq, _TOP_K)
    expert_indices = i3.transpose(0, 2, 1).reshape(batch, seq, _TOP_K)
    return router_weights, expert_indices

# --- scband reference (transcript-rebuilt; emitter-appended) ---
"""Pipeline reference for scband-zero-shot-router-44839458570827 (READ-ONLY COPY).

The authoritative reference and input builder live on the scoring server;
editing this copy changes nothing except your own understanding.
"""

import jax, jax.numpy as jnp
import numpy as np


def setup_inputs(seed: int = 0) -> dict:
    key = jax.random.key(seed)
    k1, k2 = jax.random.split(key)
    x = jax.random.normal(k1, (4, 4096, 2048), dtype=jnp.float32)
    expert_deviations = jax.random.normal(k2, (64, 512, 2048), dtype=jnp.float32)
    return {"x": x, "expert_deviations": expert_deviations}


def reference(x, expert_deviations):
    top_k = 8
    # __init__: prototypes = sum over d_out of |deviations|, then L2-normalize rows
    prototypes = jnp.sum(jnp.abs(expert_deviations.astype(jnp.float32)), axis=1)  # (E, d_in)
    norm = jnp.linalg.norm(prototypes, axis=1, keepdims=True)
    prototypes = prototypes / jnp.maximum(norm, 1e-12)
    # forward
    batch, seq_len, d_in = x.shape
    x_flat = x.reshape(batch * seq_len, d_in)
    scores = jnp.matmul(x_flat, prototypes.T)  # (B*S, E)
    router_logits, expert_indices = jax.lax.top_k(scores, top_k)
    router_weights = jax.nn.softmax(router_logits, axis=-1)
    router_weights = router_weights.reshape(batch, seq_len, top_k)
    expert_indices = expert_indices.reshape(batch, seq_len, top_k)
    return (router_weights, expert_indices)

if __name__ == "__main__":
    import jax
    _d = setup_inputs()
    print(jax.jit(kernel)(*tuple(_d.values())))

</pallas_src>

<mosaic_0001>
#map = affine_map<(d0, d1) -> (0, 0, 0)>
module attributes {stable_mosaic.version = 14 : i64} {
  func.func @_topk_body(%arg0: i32, %arg1: i32, %arg2: memref<32x64x512xf32, #tpu.memory_space<hbm>>, %arg3: memref<32x8x512xf32, #tpu.memory_space<hbm>>, %arg4: memref<32x8x512xi32, #tpu.memory_space<hbm>>, %arg5: memref<64x512xf32, #tpu.memory_space<vmem>>, %arg6: memref<8x512xf32, #tpu.memory_space<vmem>>, %arg7: memref<8x512xi32, #tpu.memory_space<vmem>>) attributes {dimension_semantics = [#tpu.dimension_semantics<core_parallel>, #tpu.dimension_semantics<subcore_parallel>], iteration_bounds = array<i64: 2, 16>, scalar_prefetch = 0 : i64, scratch_operands = 3 : i64, tpu.core_type = #tpu.core_type<sc_vector_subcore>, window_params = [{transform_indices = #map}, {transform_indices = #map}, {transform_indices = #map}]} {
    %mul3A = arith.constant 2 : i32
    %mul3A_0 = arith.muli %arg1, %mul3A : i32
    %add3A = arith.addi %mul3A_0, %arg0 : i32
    "tpu.region"() ({
      %run_scoped3A = tpu.sem_alloc : memref<!tpu.dma_semaphore, #tpu.memory_space<semaphore_mem>>
      %dma_start3A = arith.constant 0 : i32
      %dma_start3A_7 = arith.constant 0 : i32
      %dma_start3A_8 = tpu.memref_slice %arg2[%add3A, %dma_start3A, %dma_start3A_7] : memref<32x64x512xf32, #tpu.memory_space<hbm>> -> memref<1x64x512xf32, #tpu.memory_space<hbm>>
      %dma_start3A_9 = tpu.memref_squeeze %dma_start3A_8 : memref<1x64x512xf32, #tpu.memory_space<hbm>> -> memref<64x512xf32, #tpu.memory_space<hbm>>
      %dma_start3A_10 = arith.constant 0 : i32
      %dma_start3A_11 = arith.constant 0 : i32
      %dma_start3A_12 = tpu.memref_slice %arg2[%add3A, %dma_start3A_10, %dma_start3A_11] : memref<32x64x512xf32, #tpu.memory_space<hbm>> -> memref<1x64x512xf32, #tpu.memory_space<hbm>>
      %dma_start3A_13 = tpu.memref_squeeze %dma_start3A_12 : memref<1x64x512xf32, #tpu.memory_space<hbm>> -> memref<64x512xf32, #tpu.memory_space<hbm>>
      tpu.enqueue_dma source(%dma_start3A_13 : memref<64x512xf32, #tpu.memory_space<hbm>>) target(%arg5 : memref<64x512xf32, #tpu.memory_space<vmem>>) target_semaphore(%run_scoped3A : memref<!tpu.dma_semaphore, #tpu.memory_space<semaphore_mem>>)
      %dma_wait3A = arith.constant 0 : i32
      %dma_wait3A_14 = arith.constant 0 : i32
      %dma_wait3A_15 = tpu.memref_slice %arg2[%add3A, %dma_wait3A, %dma_wait3A_14] : memref<32x64x512xf32, #tpu.memory_space<hbm>> -> memref<1x64x512xf32, #tpu.memory_space<hbm>>
      %dma_wait3A_16 = tpu.memref_squeeze %dma_wait3A_15 : memref<1x64x512xf32, #tpu.memory_space<hbm>> -> memref<64x512xf32, #tpu.memory_space<hbm>>
      %dma_wait3A_17 = arith.constant 0 : i32
      %dma_wait3A_18 = arith.constant 0 : i32
      %dma_wait3A_19 = tpu.memref_slice %arg2[%add3A, %dma_wait3A_17, %dma_wait3A_18] : memref<32x64x512xf32, #tpu.memory_space<hbm>> -> memref<1x64x512xf32, #tpu.memory_space<hbm>>
      %dma_wait3A_20 = tpu.memref_squeeze %dma_wait3A_19 : memref<1x64x512xf32, #tpu.memory_space<hbm>> -> memref<64x512xf32, #tpu.memory_space<hbm>>
      tpu.wait_dma2 semaphore(%run_scoped3A : memref<!tpu.dma_semaphore, #tpu.memory_space<semaphore_mem>>) src(%dma_wait3A_20 : memref<64x512xf32, #tpu.memory_space<hbm>>) dst(%arg5 : memref<64x512xf32, #tpu.memory_space<vmem>>)
      tpu.yield
    }) : () -> ()
    %scan3A = arith.constant 0 : i32
    %scan3A_1 = arith.constant 0 : i32
    %scan3A_2 = arith.constant 32 : i32
    %scan3A_3 = arith.addi %scan3A_1, %scan3A_2 : i32
    %scan3A_4 = arith.constant 1 : i32
    %scan3A_5 = scf.for %scan3A_7 = %scan3A_1 to %scan3A_3 step %scan3A_4 iter_args(%scan3A_8 = %scan3A) -> (i32)  : i32 {
      %mul3A_9 = arith.constant 16 : i32
      %mul3A_10 = arith.muli %scan3A_7, %mul3A_9 : i32
      %broadcast_in_dim3A = arith.constant 0xFF800000 : f32
      %broadcast_in_dim3A_11 = vector.broadcast %broadcast_in_dim3A : f32 to vector<16xf32>
      %broadcast_in_dim3A_12 = arith.constant 0xFF800000 : f32
      %broadcast_in_dim3A_13 = vector.broadcast %broadcast_in_dim3A_12 : f32 to vector<16xf32>
      %broadcast_in_dim3A_14 = arith.constant 0xFF800000 : f32
      %broadcast_in_dim3A_15 = vector.broadcast %broadcast_in_dim3A_14 : f32 to vector<16xf32>
      %broadcast_in_dim3A_16 = arith.constant 0xFF800000 : f32
      %broadcast_in_dim3A_17 = vector.broadcast %broadcast_in_dim3A_16 : f32 to vector<16xf32>
      %broadcast_in_dim3A_18 = arith.constant 0xFF800000 : f32
      %broadcast_in_dim3A_19 = vector.broadcast %broadcast_in_dim3A_18 : f32 to vector<16xf32>
      %broadcast_in_dim3A_20 = arith.constant 0xFF800000 : f32
      %broadcast_in_dim3A_21 = vector.broadcast %broadcast_in_dim3A_20 : f32 to vector<16xf32>
      %broadcast_in_dim3A_22 = arith.constant 0xFF800000 : f32
      %broadcast_in_dim3A_23 = vector.broadcast %broadcast_in_dim3A_22 : f32 to vector<16xf32>
      %broadcast_in_dim3A_24 = arith.constant 0xFF800000 : f32
      %broadcast_in_dim3A_25 = vector.broadcast %broadcast_in_dim3A_24 : f32 to vector<16xf32>
      %broadcast_in_dim3A_26 = arith.constant 0 : i32
      %broadcast_in_dim3A_27 = vector.broadcast %broadcast_in_dim3A_26 : i32 to vector<16xi32>
      %broadcast_in_dim3A_28 = arith.constant 0 : i32
      %broadcast_in_dim3A_29 = vector.broadcast %broadcast_in_dim3A_28 : i32 to vector<16xi32>
      %broadcast_in_dim3A_30 = arith.constant 0 : i32
      %broadcast_in_dim3A_31 = vector.broadcast %broadcast_in_dim3A_30 : i32 to vector<16xi32>
      %broadcast_in_dim3A_32 = arith.constant 0 : i32
      %broadcast_in_dim3A_33 = vector.broadcast %broadcast_in_dim3A_32 : i32 to vector<16xi32>
      %broadcast_in_dim3A_34 = arith.constant 0 : i32
      %broadcast_in_dim3A_35 = vector.broadcast %broadcast_in_dim3A_34 : i32 to vector<16xi32>
      %broadcast_in_dim3A_36 = arith.constant 0 : i32
      %broadcast_in_dim3A_37 = vector.broadcast %broadcast_in_dim3A_36 : i32 to vector<16xi32>
      %broadcast_in_dim3A_38 = arith.constant 0 : i32
      %broadcast_in_dim3A_39 = vector.broadcast %broadcast_in_dim3A_38 : i32 to vector<16xi32>
      %broadcast_in_dim3A_40 = arith.constant 0 : i32
      %broadcast_in_dim3A_41 = vector.broadcast %broadcast_in_dim3A_40 : i32 to vector<16xi32>
      %scan3A_42 = arith.constant 0 : i32
      %scan3A_43 = arith.constant 64 : i32
      %scan3A_44 = arith.addi %scan3A_42, %scan3A_43 : i32
      %scan3A_45 = arith.constant 1 : i32
      %scan3A_46:16 = scf.for %scan3A_175 = %scan3A_42 to %scan3A_44 step %scan3A_45 iter_args(%scan3A_176 = %broadcast_in_dim3A_11, %scan3A_177 = %broadcast_in_dim3A_13, %scan3A_178 = %broadcast_in_dim3A_15, %scan3A_179 = %broadcast_in_dim3A_17, %scan3A_180 = %broadcast_in_dim3A_19, %scan3A_181 = %broadcast_in_dim3A_21, %scan3A_182 = %broadcast_in_dim3A_23, %scan3A_183 = %broadcast_in_dim3A_25, %scan3A_184 = %broadcast_in_dim3A_27, %scan3A_185 = %broadcast_in_dim3A_29, %scan3A_186 = %broadcast_in_dim3A_31, %scan3A_187 = %broadcast_in_dim3A_33, %scan3A_188 = %broadcast_in_dim3A_35, %scan3A_189 = %broadcast_in_dim3A_37, %scan3A_190 = %broadcast_in_dim3A_39, %scan3A_191 = %broadcast_in_dim3A_41) -> (vector<16xf32>, vector<16xf32>, vector<16xf32>, vector<16xf32>, vector<16xf32>, vector<16xf32>, vector<16xf32>, vector<16xf32>, vector<16xi32>, vector<16xi32>, vector<16xi32>, vector<16xi32>, vector<16xi32>, vector<16xi32>, vector<16xi32>, vector<16xi32>)  : i32 {
        %get3A = arith.index_cast %scan3A_175 : i32 to index
        %get3A_192 = arith.index_cast %mul3A_10 : i32 to index
        %get3A_193 = tpu.vector_load %arg5[%get3A, %get3A_192] {strides = array<i32>} : memref<64x512xf32, #tpu.memory_space<vmem>>, vector<1x16xf32>,
        %get3A_194 = vector.shape_cast %get3A_193 : vector<1x16xf32> to vector<16xf32>
        %broadcast_in_dim3A_195 = vector.broadcast %scan3A_175 : i32 to vector<16xi32>
        %gt3A = arith.cmpf ogt, %get3A_194, %scan3A_176 : vector<16xf32>
        %select_n3A = arith.select %gt3A, %get3A_194, %scan3A_176 : vector<16xi1>, vector<16xf32>
        %select_n3A_196 = arith.select %gt3A, %broadcast_in_dim3A_195, %scan3A_184 : vector<16xi1>, vector<16xi32>
        %select_n3A_197 = arith.select %gt3A, %scan3A_176, %get3A_194 : vector<16xi1>, vector<16xf32>
        %select_n3A_198 = arith.select %gt3A, %scan3A_184, %broadcast_in_dim3A_195 : vector<16xi1>, vector<16xi32>
        %gt3A_199 = arith.cmpf ogt, %select_n3A_197, %scan3A_177 : vector<16xf32>
        %select_n3A_200 = arith.select %gt3A_199, %select_n3A_197, %scan3A_177 : vector<16xi1>, vector<16xf32>
        %select_n3A_201 = arith.select %gt3A_199, %select_n3A_198, %scan3A_185 : vector<16xi1>, vector<16xi32>
        %select_n3A_202 = arith.select %gt3A_199, %scan3A_177, %select_n3A_197 : vector<16xi1>, vector<16xf32>
        %select_n3A_203 = arith.select %gt3A_199, %scan3A_185, %select_n3A_198 : vector<16xi1>, vector<16xi32>
        %gt3A_204 = arith.cmpf ogt, %select_n3A_202, %scan3A_178 : vector<16xf32>
        %select_n3A_205 = arith.select %gt3A_204, %select_n3A_202, %scan3A_178 : vector<16xi1>, vector<16xf32>
        %select_n3A_206 = arith.select %gt3A_204, %select_n3A_203, %scan3A_186 : vector<16xi1>, vector<16xi32>
        %select_n3A_207 = arith.select %gt3A_204, %scan3A_178, %select_n3A_202 : vector<16xi1>, vector<16xf32>
        %select_n3A_208 = arith.select %gt3A_204, %scan3A_186, %select_n3A_203 : vector<16xi1>, vector<16xi32>
        %gt3A_209 = arith.cmpf ogt, %select_n3A_207, %scan3A_179 : vector<16xf32>
        %select_n3A_210 = arith.select %gt3A_209, %select_n3A_207, %scan3A_179 : vector<16xi1>, vector<16xf32>
        %select_n3A_211 = arith.select %gt3A_209, %select_n3A_208, %scan3A_187 : vector<16xi1>, vector<16xi32>
        %select_n3A_212 = arith.select %gt3A_209, %scan3A_179, %select_n3A_207 : vector<16xi1>, vector<16xf32>
        %select_n3A_213 = arith.select %gt3A_209, %scan3A_187, %select_n3A_208 : vector<16xi1>, vector<16xi32>
        %gt3A_214 = arith.cmpf ogt, %select_n3A_212, %scan3A_180 : vector<16xf32>
        %select_n3A_215 = arith.select %gt3A_214, %select_n3A_212, %scan3A_180 : vector<16xi1>, vector<16xf32>
        %select_n3A_216 = arith.select %gt3A_214, %select_n3A_213, %scan3A_188 : vector<16xi1>, vector<16xi32>
        %select_n3A_217 = arith.select %gt3A_214, %scan3A_180, %select_n3A_212 : vector<16xi1>, vector<16xf32>
        %select_n3A_218 = arith.select %gt3A_214, %scan3A_188, %select_n3A_213 : vector<16xi1>, vector<16xi32>
        %gt3A_219 = arith.cmpf ogt, %select_n3A_217, %scan3A_181 : vector<16xf32>
        %select_n3A_220 = arith.select %gt3A_219, %select_n3A_217, %scan3A_181 : vector<16xi1>, vector<16xf32>
        %select_n3A_221 = arith.select %gt3A_219, %select_n3A_218, %scan3A_189 : vector<16xi1>, vector<16xi32>
        %select_n3A_222 = arith.select %gt3A_219, %scan3A_181, %select_n3A_217 : vector<16xi1>, vector<16xf32>
        %select_n3A_223 = arith.select %gt3A_219, %scan3A_189, %select_n3A_218 : vector<16xi1>, vector<16xi32>
        %gt3A_224 = arith.cmpf ogt, %select_n3A_222, %scan3A_182 : vector<16xf32>
        %select_n3A_225 = arith.select %gt3A_224, %select_n3A_222, %scan3A_182 : vector<16xi1>, vector<16xf32>
        %select_n3A_226 = arith.select %gt3A_224, %select_n3A_223, %scan3A_190 : vector<16xi1>, vector<16xi32>
        %select_n3A_227 = arith.select %gt3A_224, %scan3A_182, %select_n3A_222 : vector<16xi1>, vector<16xf32>
        %select_n3A_228 = arith.select %gt3A_224, %scan3A_190, %select_n3A_223 : vector<16xi1>, vector<16xi32>
        %gt3A_229 = arith.cmpf ogt, %select_n3A_227, %scan3A_183 : vector<16xf32>
        %select_n3A_230 = arith.select %gt3A_229, %select_n3A_227, %scan3A_183 : vector<16xi1>, vector<16xf32>
        %select_n3A_231 = arith.select %gt3A_229, %select_n3A_228, %scan3A_191 : vector<16xi1>, vector<16xi32>
        %select_n3A_232 = arith.select %gt3A_229, %scan3A_183, %select_n3A_227 : vector<16xi1>, vector<16xf32>
        %select_n3A_233 = arith.select %gt3A_229, %scan3A_191, %select_n3A_228 : vector<16xi1>, vector<16xi32>
        scf.yield %select_n3A, %select_n3A_200, %select_n3A_205, %select_n3A_210, %select_n3A_215, %select_n3A_220, %select_n3A_225, %select_n3A_230, %select_n3A_196, %select_n3A_201, %select_n3A_206, %select_n3A_211, %select_n3A_216, %select_n3A_221, %select_n3A_226, %select_n3A_231 : vector<16xf32>, vector<16xf32>, vector<16xf32>, vector<16xf32>, vector<16xf32>, vector<16xf32>, vector<16xf32>, vector<16xf32>, vector<16xi32>, vector<16xi32>, vector<16xi32>, vector<16xi32>, vector<16xi32>, vector<16xi32>, vector<16xi32>, vector<16xi32>
      }
      %scan3A_47 = arith.constant 64 : i32
      %sub3A = arith.subf %scan3A_46#0, %scan3A_46#0 : vector<16xf32>
      %exp3A = math.exp %sub3A : vector<16xf32>
      %sub3A_48 = arith.subf %scan3A_46#1, %scan3A_46#0 : vector<16xf32>
      %exp3A_49 = math.exp %sub3A_48 : vector<16xf32>
      %sub3A_50 = arith.subf %scan3A_46#2, %scan3A_46#0 : vector<16xf32>
      %exp3A_51 = math.exp %sub3A_50 : vector<16xf32>
      %sub3A_52 = arith.subf %scan3A_46#3, %scan3A_46#0 : vector<16xf32>
      %exp3A_53 = math.exp %sub3A_52 : vector<16xf32>
      %sub3A_54 = arith.subf %scan3A_46#4, %scan3A_46#0 : vector<16xf32>
      %exp3A_55 = math.exp %sub3A_54 : vector<16xf32>
      %sub3A_56 = arith.subf %scan3A_46#5, %scan3A_46#0 : vector<16xf32>
      %exp3A_57 = math.exp %sub3A_56 : vector<16xf32>
      %sub3A_58 = arith.subf %scan3A_46#6, %scan3A_46#0 : vector<16xf32>
      %exp3A_59 = math.exp %sub3A_58 : vector<16xf32>
      %sub3A_60 = arith.subf %scan3A_46#7, %scan3A_46#0 : vector<16xf32>
      %exp3A_61 = math.exp %sub3A_60 : vector<16xf32>
      %add3A_62 = arith.addf %exp3A, %exp3A_49 : vector<16xf32>
      %add3A_63 = arith.addf %add3A_62, %exp3A_51 : vector<16xf32>
      %add3A_64 = arith.addf %add3A_63, %exp3A_53 : vector<16xf32>
      %add3A_65 = arith.addf %add3A_64, %exp3A_55 : vector<16xf32>
      %add3A_66 = arith.addf %add3A_65, %exp3A_57 : vector<16xf32>
      %add3A_67 = arith.addf %add3A_66, %exp3A_59 : vector<16xf32>
      %add3A_68 = arith.addf %add3A_67, %exp3A_61 : vector<16xf32>
      %div3A = arith.constant 1.000000e+00 : f32
      %div3A_69 = vector.broadcast %div3A : f32 to vector<16xf32>
      %div3A_70 = arith.divf %div3A_69, %add3A_68 : vector<16xf32>
      %mul3A_71 = arith.mulf %exp3A, %div3A_70 : vector<16xf32>
      %swap3A = arith.constant 0 : i32
      %swap3A_72 = arith.index_cast %swap3A : i32 to index
      %swap3A_73 = arith.index_cast %mul3A_10 : i32 to index
      %swap3A_74 = tpu.vector_load %arg6[%swap3A_72, %swap3A_73] {strides = array<i32>} : memref<8x512xf32, #tpu.memory_space<vmem>>, vector<1x16xf32>,
      %swap3A_75 = vector.shape_cast %swap3A_74 : vector<1x16xf32> to vector<16xf32>
      %swap3A_76 = vector.shape_cast %mul3A_71 : vector<16xf32> to vector<1x16xf32>
      tpu.vector_store %arg6[%swap3A_72, %swap3A_73], %swap3A_76 {strides = array<i32>} : memref<8x512xf32, #tpu.memory_space<vmem>>, vector<1x16xf32>,
      %swap3A_77 = arith.constant 0 : i32
      %swap3A_78 = arith.index_cast %swap3A_77 : i32 to index
      %swap3A_79 = arith.index_cast %mul3A_10 : i32 to index
      %swap3A_80 = tpu.vector_load %arg7[%swap3A_78, %swap3A_79] {strides = array<i32>} : memref<8x512xi32, #tpu.memory_space<vmem>>, vector<1x16xi32>,
      %swap3A_81 = vector.shape_cast %swap3A_80 : vector<1x16xi32> to vector<16xi32>
      %swap3A_82 = vector.shape_cast %scan3A_46#8 : vector<16xi32> to vector<1x16xi32>
      tpu.vector_store %arg7[%swap3A_78, %swap3A_79], %swap3A_82 {strides = array<i32>} : memref<8x512xi32, #tpu.memory_space<vmem>>, vector<1x16xi32>,
      %mul3A_83 = arith.mulf %exp3A_49, %div3A_70 : vector<16xf32>
      %swap3A_84 = arith.constant 1 : i32
      %swap3A_85 = arith.index_cast %swap3A_84 : i32 to index
      %swap3A_86 = arith.index_cast %mul3A_10 : i32 to index
      %swap3A_87 = tpu.vector_load %arg6[%swap3A_85, %swap3A_86] {strides = array<i32>} : memref<8x512xf32, #tpu.memory_space<vmem>>, vector<1x16xf32>,
      %swap3A_88 = vector.shape_cast %swap3A_87 : vector<1x16xf32> to vector<16xf32>
      %swap3A_89 = vector.shape_cast %mul3A_83 : vector<16xf32> to vector<1x16xf32>
      tpu.vector_store %arg6[%swap3A_85, %swap3A_86], %swap3A_89 {strides = array<i32>} : memref<8x512xf32, #tpu.memory_space<vmem>>, vector<1x16xf32>,
      %swap3A_90 = arith.constant 1 : i32
      %swap3A_91 = arith.index_cast %swap3A_90 : i32 to index
      %swap3A_92 = arith.index_cast %mul3A_10 : i32 to index
      %swap3A_93 = tpu.vector_load %arg7[%swap3A_91, %swap3A_92] {strides = array<i32>} : memref<8x512xi32, #tpu.memory_space<vmem>>, vector<1x16xi32>,
      %swap3A_94 = vector.shape_cast %swap3A_93 : vector<1x16xi32> to vector<16xi32>
      %swap3A_95 = vector.shape_cast %scan3A_46#9 : vector<16xi32> to vector<1x16xi32>
      tpu.vector_store %arg7[%swap3A_91, %swap3A_92], %swap3A_95 {strides = array<i32>} : memref<8x512xi32, #tpu.memory_space<vmem>>, vector<1x16xi32>,
      %mul3A_96 = arith.mulf %exp3A_51, %div3A_70 : vector<16xf32>
      %swap3A_97 = arith.constant 2 : i32
      %swap3A_98 = arith.index_cast %swap3A_97 : i32 to index
      %swap3A_99 = arith.index_cast %mul3A_10 : i32 to index
      %swap3A_100 = tpu.vector_load %arg6[%swap3A_98, %swap3A_99] {strides = array<i32>} : memref<8x512xf32, #tpu.memory_space<vmem>>, vector<1x16xf32>,
      %swap3A_101 = vector.shape_cast %swap3A_100 : vector<1x16xf32> to vector<16xf32>
      %swap3A_102 = vector.shape_cast %mul3A_96 : vector<16xf32> to vector<1x16xf32>
      tpu.vector_store %arg6[%swap3A_98, %swap3A_99], %swap3A_102 {strides = array<i32>} : memref<8x512xf32, #tpu.memory_space<vmem>>, vector<1x16xf32>,
      %swap3A_103 = arith.constant 2 : i32
      %swap3A_104 = arith.index_cast %swap3A_103 : i32 to index
      %swap3A_105 = arith.index_cast %mul3A_10 : i32 to index
      %swap3A_106 = tpu.vector_load %arg7[%swap3A_104, %swap3A_105] {strides = array<i32>} : memref<8x512xi32, #tpu.memory_space<vmem>>, vector<1x16xi32>,
      %swap3A_107 = vector.shape_cast %swap3A_106 : vector<1x16xi32> to vector<16xi32>
      %swap3A_108 = vector.shape_cast %scan3A_46#10 : vector<16xi32> to vector<1x16xi32>
      tpu.vector_store %arg7[%swap3A_104, %swap3A_105], %swap3A_108 {strides = array<i32>} : memref<8x512xi32, #tpu.memory_space<vmem>>, vector<1x16xi32>,
      %mul3A_109 = arith.mulf %exp3A_53, %div3A_70 : vector<16xf32>
      %swap3A_110 = arith.constant 3 : i32
      %swap3A_111 = arith.index_cast %swap3A_110 : i32 to index
      %swap3A_112 = arith.index_cast %mul3A_10 : i32 to index
      %swap3A_113 = tpu.vector_load %arg6[%swap3A_111, %swap3A_112] {strides = array<i32>} : memref<8x512xf32, #tpu.memory_space<vmem>>, vector<1x16xf32>,
      %swap3A_114 = vector.shape_cast %swap3A_113 : vector<1x16xf32> to vector<16xf32>
      %swap3A_115 = vector.shape_cast %mul3A_109 : vector<16xf32> to vector<1x16xf32>
      tpu.vector_store %arg6[%swap3A_111, %swap3A_112], %swap3A_115 {strides = array<i32>} : memref<8x512xf32, #tpu.memory_space<vmem>>, vector<1x16xf32>,
      %swap3A_116 = arith.constant 3 : i32
      %swap3A_117 = arith.index_cast %swap3A_116 : i32 to index
      %swap3A_118 = arith.index_cast %mul3A_10 : i32 to index
      %swap3A_119 = tpu.vector_load %arg7[%swap3A_117, %swap3A_118] {strides = array<i32>} : memref<8x512xi32, #tpu.memory_space<vmem>>, vector<1x16xi32>,
      %swap3A_120 = vector.shape_cast %swap3A_119 : vector<1x16xi32> to vector<16xi32>
      %swap3A_121 = vector.shape_cast %scan3A_46#11 : vector<16xi32> to vector<1x16xi32>
      tpu.vector_store %arg7[%swap3A_117, %swap3A_118], %swap3A_121 {strides = array<i32>} : memref<8x512xi32, #tpu.memory_space<vmem>>, vector<1x16xi32>,
      %mul3A_122 = arith.mulf %exp3A_55, %div3A_70 : vector<16xf32>
      %swap3A_123 = arith.constant 4 : i32
      %swap3A_124 = arith.index_cast %swap3A_123 : i32 to index
      %swap3A_125 = arith.index_cast %mul3A_10 : i32 to index
      %swap3A_126 = tpu.vector_load %arg6[%swap3A_124, %swap3A_125] {strides = array<i32>} : memref<8x512xf32, #tpu.memory_space<vmem>>, vector<1x16xf32>,
      %swap3A_127 = vector.shape_cast %swap3A_126 : vector<1x16xf32> to vector<16xf32>
      %swap3A_128 = vector.shape_cast %mul3A_122 : vector<16xf32> to vector<1x16xf32>
      tpu.vector_store %arg6[%swap3A_124, %swap3A_125], %swap3A_128 {strides = array<i32>} : memref<8x512xf32, #tpu.memory_space<vmem>>, vector<1x16xf32>,
      %swap3A_129 = arith.constant 4 : i32
      %swap3A_130 = arith.index_cast %swap3A_129 : i32 to index
      %swap3A_131 = arith.index_cast %mul3A_10 : i32 to index
      %swap3A_132 = tpu.vector_load %arg7[%swap3A_130, %swap3A_131] {strides = array<i32>} : memref<8x512xi32, #tpu.memory_space<vmem>>, vector<1x16xi32>,
      %swap3A_133 = vector.shape_cast %swap3A_132 : vector<1x16xi32> to vector<16xi32>
      %swap3A_134 = vector.shape_cast %scan3A_46#12 : vector<16xi32> to vector<1x16xi32>
      tpu.vector_store %arg7[%swap3A_130, %swap3A_131], %swap3A_134 {strides = array<i32>} : memref<8x512xi32, #tpu.memory_space<vmem>>, vector<1x16xi32>,
      %mul3A_135 = arith.mulf %exp3A_57, %div3A_70 : vector<16xf32>
      %swap3A_136 = arith.constant 5 : i32
      %swap3A_137 = arith.index_cast %swap3A_136 : i32 to index
      %swap3A_138 = arith.index_cast %mul3A_10 : i32 to index
      %swap3A_139 = tpu.vector_load %arg6[%swap3A_137, %swap3A_138] {strides = array<i32>} : memref<8x512xf32, #tpu.memory_space<vmem>>, vector<1x16xf32>,
      %swap3A_140 = vector.shape_cast %swap3A_139 : vector<1x16xf32> to vector<16xf32>
      %swap3A_141 = vector.shape_cast %mul3A_135 : vector<16xf32> to vector<1x16xf32>
      tpu.vector_store %arg6[%swap3A_137, %swap3A_138], %swap3A_141 {strides = array<i32>} : memref<8x512xf32, #tpu.memory_space<vmem>>, vector<1x16xf32>,
      %swap3A_142 = arith.constant 5 : i32
      %swap3A_143 = arith.index_cast %swap3A_142 : i32 to index
      %swap3A_144 = arith.index_cast %mul3A_10 : i32 to index
      %swap3A_145 = tpu.vector_load %arg7[%swap3A_143, %swap3A_144] {strides = array<i32>} : memref<8x512xi32, #tpu.memory_space<vmem>>, vector<1x16xi32>,
      %swap3A_146 = vector.shape_cast %swap3A_145 : vector<1x16xi32> to vector<16xi32>
      %swap3A_147 = vector.shape_cast %scan3A_46#13 : vector<16xi32> to vector<1x16xi32>
      tpu.vector_store %arg7[%swap3A_143, %swap3A_144], %swap3A_147 {strides = array<i32>} : memref<8x512xi32, #tpu.memory_space<vmem>>, vector<1x16xi32>,
      %mul3A_148 = arith.mulf %exp3A_59, %div3A_70 : vector<16xf32>
      %swap3A_149 = arith.constant 6 : i32
      %swap3A_150 = arith.index_cast %swap3A_149 : i32 to index
      %swap3A_151 = arith.index_cast %mul3A_10 : i32 to index
      %swap3A_152 = tpu.vector_load %arg6[%swap3A_150, %swap3A_151] {strides = array<i32>} : memref<8x512xf32, #tpu.memory_space<vmem>>, vector<1x16xf32>,
      %swap3A_153 = vector.shape_cast %swap3A_152 : vector<1x16xf32> to vector<16xf32>
      %swap3A_154 = vector.shape_cast %mul3A_148 : vector<16xf32> to vector<1x16xf32>
      tpu.vector_store %arg6[%swap3A_150, %swap3A_151], %swap3A_154 {strides = array<i32>} : memref<8x512xf32, #tpu.memory_space<vmem>>, vector<1x16xf32>,
      %swap3A_155 = arith.constant 6 : i32
      %swap3A_156 = arith.index_cast %swap3A_155 : i32 to index
      %swap3A_157 = arith.index_cast %mul3A_10 : i32 to index
      %swap3A_158 = tpu.vector_load %arg7[%swap3A_156, %swap3A_157] {strides = array<i32>} : memref<8x512xi32, #tpu.memory_space<vmem>>, vector<1x16xi32>,
      %swap3A_159 = vector.shape_cast %swap3A_158 : vector<1x16xi32> to vector<16xi32>
      %swap3A_160 = vector.shape_cast %scan3A_46#14 : vector<16xi32> to vector<1x16xi32>
      tpu.vector_store %arg7[%swap3A_156, %swap3A_157], %swap3A_160 {strides = array<i32>} : memref<8x512xi32, #tpu.memory_space<vmem>>, vector<1x16xi32>,
      %mul3A_161 = arith.mulf %exp3A_61, %div3A_70 : vector<16xf32>
      %swap3A_162 = arith.constant 7 : i32
      %swap3A_163 = arith.index_cast %swap3A_162 : i32 to index
      %swap3A_164 = arith.index_cast %mul3A_10 : i32 to index
      %swap3A_165 = tpu.vector_load %arg6[%swap3A_163, %swap3A_164] {strides = array<i32>} : memref<8x512xf32, #tpu.memory_space<vmem>>, vector<1x16xf32>,
      %swap3A_166 = vector.shape_cast %swap3A_165 : vector<1x16xf32> to vector<16xf32>
      %swap3A_167 = vector.shape_cast %mul3A_161 : vector<16xf32> to vector<1x16xf32>
      tpu.vector_store %arg6[%swap3A_163, %swap3A_164], %swap3A_167 {strides = array<i32>} : memref<8x512xf32, #tpu.memory_space<vmem>>, vector<1x16xf32>,
      %swap3A_168 = arith.constant 7 : i32
      %swap3A_169 = arith.index_cast %swap3A_168 : i32 to index
      %swap3A_170 = arith.index_cast %mul3A_10 : i32 to index
      %swap3A_171 = tpu.vector_load %arg7[%swap3A_169, %swap3A_170] {strides = array<i32>} : memref<8x512xi32, #tpu.memory_space<vmem>>, vector<1x16xi32>,
      %swap3A_172 = vector.shape_cast %swap3A_171 : vector<1x16xi32> to vector<16xi32>
      %swap3A_173 = vector.shape_cast %scan3A_46#15 : vector<16xi32> to vector<1x16xi32>
      tpu.vector_store %arg7[%swap3A_169, %swap3A_170], %swap3A_173 {strides = array<i32>} : memref<8x512xi32, #tpu.memory_space<vmem>>, vector<1x16xi32>,
      %scan3A_174 = arith.constant 0 : i32
      scf.yield %scan3A_174 : i32
    }
    %scan3A_6 = arith.constant 32 : i32
    "tpu.region"() ({
      %run_scoped3A = tpu.sem_alloc : memref<!tpu.dma_semaphore, #tpu.memory_space<semaphore_mem>>
      %dma_start3A = arith.constant 0 : i32
      %dma_start3A_7 = arith.constant 0 : i32
      %dma_start3A_8 = tpu.memref_slice %arg3[%add3A, %dma_start3A, %dma_start3A_7] : memref<32x8x512xf32, #tpu.memory_space<hbm>> -> memref<1x8x512xf32, #tpu.memory_space<hbm>>
      %dma_start3A_9 = tpu.memref_squeeze %dma_start3A_8 : memref<1x8x512xf32, #tpu.memory_space<hbm>> -> memref<8x512xf32, #tpu.memory_space<hbm>>
      %dma_start3A_10 = arith.constant 0 : i32
      %dma_start3A_11 = arith.constant 0 : i32
      %dma_start3A_12 = tpu.memref_slice %arg3[%add3A, %dma_start3A_10, %dma_start3A_11] : memref<32x8x512xf32, #tpu.memory_space<hbm>> -> memref<1x8x512xf32, #tpu.memory_space<hbm>>
      %dma_start3A_13 = tpu.memref_squeeze %dma_start3A_12 : memref<1x8x512xf32, #tpu.memory_space<hbm>> -> memref<8x512xf32, #tpu.memory_space<hbm>>
      tpu.enqueue_dma source(%arg6 : memref<8x512xf32, #tpu.memory_space<vmem>>) target(%dma_start3A_13 : memref<8x512xf32, #tpu.memory_space<hbm>>) target_semaphore(%run_scoped3A : memref<!tpu.dma_semaphore, #tpu.memory_space<semaphore_mem>>)
      %dma_wait3A = arith.constant 0 : i32
      %dma_wait3A_14 = arith.constant 0 : i32
      %dma_wait3A_15 = tpu.memref_slice %arg3[%add3A, %dma_wait3A, %dma_wait3A_14] : memref<32x8x512xf32, #tpu.memory_space<hbm>> -> memref<1x8x512xf32, #tpu.memory_space<hbm>>
      %dma_wait3A_16 = tpu.memref_squeeze %dma_wait3A_15 : memref<1x8x512xf32, #tpu.memory_space<hbm>> -> memref<8x512xf32, #tpu.memory_space<hbm>>
      %dma_wait3A_17 = arith.constant 0 : i32
      %dma_wait3A_18 = arith.constant 0 : i32
      %dma_wait3A_19 = tpu.memref_slice %arg3[%add3A, %dma_wait3A_17, %dma_wait3A_18] : memref<32x8x512xf32, #tpu.memory_space<hbm>> -> memref<1x8x512xf32, #tpu.memory_space<hbm>>
      %dma_wait3A_20 = tpu.memref_squeeze %dma_wait3A_19 : memref<1x8x512xf32, #tpu.memory_space<hbm>> -> memref<8x512xf32, #tpu.memory_space<hbm>>
      tpu.wait_dma2 semaphore(%run_scoped3A : memref<!tpu.dma_semaphore, #tpu.memory_space<semaphore_mem>>) src(%arg6 : memref<8x512xf32, #tpu.memory_space<vmem>>) dst(%dma_wait3A_20 : memref<8x512xf32, #tpu.memory_space<hbm>>)
      tpu.yield
    }) : () -> ()
    "tpu.region"() ({
      %run_scoped3A = tpu.sem_alloc : memref<!tpu.dma_semaphore, #tpu.memory_space<semaphore_mem>>
      %dma_start3A = arith.constant 0 : i32
      %dma_start3A_7 = arith.constant 0 : i32
      %dma_start3A_8 = tpu.memref_slice %arg4[%add3A, %dma_start3A, %dma_start3A_7] : memref<32x8x512xi32, #tpu.memory_space<hbm>> -> memref<1x8x512xi32, #tpu.memory_space<hbm>>
      %dma_start3A_9 = tpu.memref_squeeze %dma_start3A_8 : memref<1x8x512xi32, #tpu.memory_space<hbm>> -> memref<8x512xi32, #tpu.memory_space<hbm>>
      %dma_start3A_10 = arith.constant 0 : i32
      %dma_start3A_11 = arith.constant 0 : i32
      %dma_start3A_12 = tpu.memref_slice %arg4[%add3A, %dma_start3A_10, %dma_start3A_11] : memref<32x8x512xi32, #tpu.memory_space<hbm>> -> memref<1x8x512xi32, #tpu.memory_space<hbm>>
      %dma_start3A_13 = tpu.memref_squeeze %dma_start3A_12 : memref<1x8x512xi32, #tpu.memory_space<hbm>> -> memref<8x512xi32, #tpu.memory_space<hbm>>
      tpu.enqueue_dma source(%arg7 : memref<8x512xi32, #tpu.memory_space<vmem>>) target(%dma_start3A_13 : memref<8x512xi32, #tpu.memory_space<hbm>>) target_semaphore(%run_scoped3A : memref<!tpu.dma_semaphore, #tpu.memory_space<semaphore_mem>>)
      %dma_wait3A = arith.constant 0 : i32
      %dma_wait3A_14 = arith.constant 0 : i32
      %dma_wait3A_15 = tpu.memref_slice %arg4[%add3A, %dma_wait3A, %dma_wait3A_14] : memref<32x8x512xi32, #tpu.memory_space<hbm>> -> memref<1x8x512xi32, #tpu.memory_space<hbm>>
      %dma_wait3A_16 = tpu.memref_squeeze %dma_wait3A_15 : memref<1x8x512xi32, #tpu.memory_space<hbm>> -> memref<8x512xi32, #tpu.memory_space<hbm>>
      %dma_wait3A_17 = arith.constant 0 : i32
      %dma_wait3A_18 = arith.constant 0 : i32
      %dma_wait3A_19 = tpu.memref_slice %arg4[%add3A, %dma_wait3A_17, %dma_wait3A_18] : memref<32x8x512xi32, #tpu.memory_space<hbm>> -> memref<1x8x512xi32, #tpu.memory_space<hbm>>
      %dma_wait3A_20 = tpu.memref_squeeze %dma_wait3A_19 : memref<1x8x512xi32, #tpu.memory_space<hbm>> -> memref<8x512xi32, #tpu.memory_space<hbm>>
      tpu.wait_dma2 semaphore(%run_scoped3A : memref<!tpu.dma_semaphore, #tpu.memory_space<semaphore_mem>>) src(%arg7 : memref<8x512xi32, #tpu.memory_space<vmem>>) dst(%dma_wait3A_20 : memref<8x512xi32, #tpu.memory_space<hbm>>)
      tpu.yield
    }) : () -> ()
    return
  }
}

module attributes {stable_mosaic.version = 14 : i64} {
  func.func @_proto_body(%arg0: i32, %arg1: memref<2x512x2048xf32, #tpu.memory_space<vmem>>, %arg2: memref<2x1x2048xf32, #tpu.memory_space<vmem>>) attributes {dimension_semantics = [#tpu.dimension_semantics<arbitrary>], iteration_bounds = array<i64: 32>, scalar_prefetch = 0 : i64, scratch_operands = 0 : i64, tpu.core_type = #tpu.core_type<tc>, window_params = [{transform_indices = @transform_0, window_bounds = array<i64: 2, 512, 2048>}, {transform_indices = @transform_1, window_bounds = array<i64: 2, 1, 2048>}]} {
    %get3A = arith.constant 0 : index
    %get3A_0 = arith.constant 0 : index
    %get3A_1 = arith.constant 0 : index
    %get3A_2 = vector.load %arg1[%get3A, %get3A_0, %get3A_1] : memref<2x512x2048xf32, #tpu.memory_space<vmem>>, vector<1x512x2048xf32>
    %get3A_3 = vector.shape_cast %get3A_2 : vector<1x512x2048xf32> to vector<512x2048xf32>
    %abs3A = math.absf %get3A_3 : vector<512x2048xf32>
    %reduce_sum3A = arith.constant dense<0.000000e+00> : vector<2048xf32>
    %reduce_sum3A_4 = vector.multi_reduction <add>, %abs3A, %reduce_sum3A [0] : vector<512x2048xf32> to vector<2048xf32>
    %mul3A = arith.mulf %reduce_sum3A_4, %reduce_sum3A_4 : vector<2048xf32>
    %reduce_sum3A_5 = vector.shape_cast %mul3A : vector<2048xf32> to vector<1x2048xf32>
    %reduce_sum3A_6 = arith.constant dense<0.000000e+00> : vector<1xf32>
    %reduce_sum3A_7 = vector.multi_reduction <add>, %reduce_sum3A_5, %reduce_sum3A_6 [1] : vector<1x2048xf32> to vector<1xf32>
    %reduce_sum3A_8 = vector.shape_cast %reduce_sum3A_7 : vector<1xf32> to vector<1x1xf32>
    %reduce_sum3A_9 = vector.extract %reduce_sum3A_8[0, 0] : f32 from vector<1x1xf32>
    %sqrt3A = math.sqrt %reduce_sum3A_9 : f32
    %max3A = arith.constant 9.99999996E-13 : f32
    %max3A_10 = arith.maximumf %sqrt3A, %max3A : f32
    %div3A = vector.broadcast %max3A_10 : f32 to vector<2048xf32>
    %div3A_11 = arith.divf %reduce_sum3A_4, %div3A : vector<2048xf32>
    %swap3A = arith.constant 0 : index
    %swap3A_12 = arith.constant 0 : index
    %swap3A_13 = arith.constant 0 : index
    %swap3A_14 = vector.load %arg2[%swap3A, %swap3A_12, %swap3A_13] : memref<2x1x2048xf32, #tpu.memory_space<vmem>>, vector<1x1x2048xf32>
    %swap3A_15 = vector.shape_cast %swap3A_14 : vector<1x1x2048xf32> to vector<2048xf32>
    %swap3A_16 = vector.shape_cast %div3A_11 : vector<2048xf32> to vector<1x1x2048xf32>
    tpu.vector_store %arg2[%swap3A, %swap3A_12, %swap3A_13], %swap3A_16 {strides = array<i32>} : memref<2x1x2048xf32, #tpu.memory_space<vmem>>, vector<1x1x2048xf32>,
    %get3A_17 = arith.constant 1 : index
    %get3A_18 = arith.constant 0 : index
    %get3A_19 = arith.constant 0 : index
    %get3A_20 = vector.load %arg1[%get3A_17, %get3A_18, %get3A_19] : memref<2x512x2048xf32, #tpu.memory_space<vmem>>, vector<1x512x2048xf32>
    %get3A_21 = vector.shape_cast %get3A_20 : vector<1x512x2048xf32> to vector<512x2048xf32>
    %abs3A_22 = math.absf %get3A_21 : vector<512x2048xf32>
    %reduce_sum3A_23 = arith.constant dense<0.000000e+00> : vector<2048xf32>
    %reduce_sum3A_24 = vector.multi_reduction <add>, %abs3A_22, %reduce_sum3A_23 [0] : vector<512x2048xf32> to vector<2048xf32>
    %mul3A_25 = arith.mulf %reduce_sum3A_24, %reduce_sum3A_24 : vector<2048xf32>
    %reduce_sum3A_26 = vector.shape_cast %mul3A_25 : vector<2048xf32> to vector<1x2048xf32>
    %reduce_sum3A_27 = arith.constant dense<0.000000e+00> : vector<1xf32>
    %reduce_sum3A_28 = vector.multi_reduction <add>, %reduce_sum3A_26, %reduce_sum3A_27 [1] : vector<1x2048xf32> to vector<1xf32>
    %reduce_sum3A_29 = vector.shape_cast %reduce_sum3A_28 : vector<1xf32> to vector<1x1xf32>
    %reduce_sum3A_30 = vector.extract %reduce_sum3A_29[0, 0] : f32 from vector<1x1xf32>
    %sqrt3A_31 = math.sqrt %reduce_sum3A_30 : f32
    %max3A_32 = arith.constant 9.99999996E-13 : f32
    %max3A_33 = arith.maximumf %sqrt3A_31, %max3A_32 : f32
    %div3A_34 = vector.broadcast %max3A_33 : f32 to vector<2048xf32>
    %div3A_35 = arith.divf %reduce_sum3A_24, %div3A_34 : vector<2048xf32>
    %swap3A_36 = arith.constant 1 : index
    %swap3A_37 = arith.constant 0 : index
    %swap3A_38 = arith.constant 0 : index
    %swap3A_39 = vector.load %arg2[%swap3A_36, %swap3A_37, %swap3A_38] : memref<2x1x2048xf32, #tpu.memory_space<vmem>>, vector<1x1x2048xf32>
    %swap3A_40 = vector.shape_cast %swap3A_39 : vector<1x1x2048xf32> to vector<2048xf32>
    %swap3A_41 = vector.shape_cast %div3A_35 : vector<2048xf32> to vector<1x1x2048xf32>
    tpu.vector_store %arg2[%swap3A_36, %swap3A_37, %swap3A_38], %swap3A_41 {strides = array<i32>} : memref<2x1x2048xf32, #tpu.memory_space<vmem>>, vector<1x1x2048xf32>,
    return
  }
  func.func @transform_0(%arg0: i32) -> (i32, i32, i32) {
    %c0_i32 = arith.constant 0 : i32
    %c0_i32_0 = arith.constant 0 : i32
    %c0_i32_1 = arith.constant 0 : i32
    return %arg0, %c0_i32, %c0_i32_0 : i32, i32, i32
  }
  func.func @transform_1(%arg0: i32) -> (i32, i32, i32) {
    %c0_i32 = arith.constant 0 : i32
    %c0_i32_0 = arith.constant 0 : i32
    %c0_i32_1 = arith.constant 0 : i32
    return %arg0, %c0_i32, %c0_i32_0 : i32, i32, i32
  }
}

module attributes {stable_mosaic.version = 14 : i64} {
  func.func @_score_body(%arg0: i32, %arg1: memref<64x2048xf32, #tpu.memory_space<vmem>>, %arg2: memref<1024x2048xf32, #tpu.memory_space<vmem>>, %arg3: memref<2x64x512xf32, #tpu.memory_space<vmem>>) attributes {dimension_semantics = [#tpu.dimension_semantics<arbitrary>], iteration_bounds = array<i64: 16>, scalar_prefetch = 0 : i64, scratch_operands = 0 : i64, tpu.core_type = #tpu.core_type<tc>, window_params = [{pipeline_mode = #tpu.pipeline_mode<synchronous>, transform_indices = @transform_0, window_bounds = array<i64: 64, 2048>}, {transform_indices = @transform_1, window_bounds = array<i64: 1024, 2048>}, {transform_indices = @transform_2, window_bounds = array<i64: 2, 64, 512>}]} {
    %get3A = arith.constant 0 : index
    %get3A_0 = arith.constant 0 : index
    %get3A_1 = vector.load %arg1[%get3A, %get3A_0] : memref<64x2048xf32, #tpu.memory_space<vmem>>, vector<64x2048xf32>
    %get3A_2 = arith.constant 0 : index
    %get3A_3 = arith.constant 0 : index
    %get3A_4 = vector.load %arg2[%get3A_2, %get3A_3] : memref<1024x2048xf32, #tpu.memory_space<vmem>>, vector<512x2048xf32>
    %dot_general3A = arith.constant dense<0.000000e+00> : vector<64x512xf32>
    %dot_general3A_5 = tpu.matmul %get3A_1, %get3A_4, %dot_general3A {dimension_numbers = #tpu.dot_dimension_numbers<[1], [1], [0], [0], [0, 0, 1, 0], [], []>, transpose_lhs_hint = false} : vector<64x2048xf32>, vector<512x2048xf32>, vector<64x512xf32> -> vector<64x512xf32>
    %swap3A = arith.constant 0 : index
    %swap3A_6 = arith.constant 0 : index
    %swap3A_7 = arith.constant 0 : index
    %swap3A_8 = vector.load %arg3[%swap3A, %swap3A_6, %swap3A_7] : memref<2x64x512xf32, #tpu.memory_space<vmem>>, vector<1x64x512xf32>
    %swap3A_9 = vector.shape_cast %swap3A_8 : vector<1x64x512xf32> to vector<64x512xf32>
    %swap3A_10 = vector.shape_cast %dot_general3A_5 : vector<64x512xf32> to vector<1x64x512xf32>
    tpu.vector_store %arg3[%swap3A, %swap3A_6, %swap3A_7], %swap3A_10 {strides = array<i32>} : memref<2x64x512xf32, #tpu.memory_space<vmem>>, vector<1x64x512xf32>,
    %get3A_11 = arith.constant 0 : index
    %get3A_12 = arith.constant 0 : index
    %get3A_13 = vector.load %arg1[%get3A_11, %get3A_12] : memref<64x2048xf32, #tpu.memory_space<vmem>>, vector<64x2048xf32>
    %get3A_14 = arith.constant 512 : index
    %get3A_15 = arith.constant 0 : index
    %get3A_16 = vector.load %arg2[%get3A_14, %get3A_15] : memref<1024x2048xf32, #tpu.memory_space<vmem>>, vector<512x2048xf32>
    %dot_general3A_17 = arith.constant dense<0.000000e+00> : vector<64x512xf32>
    %dot_general3A_18 = tpu.matmul %get3A_13, %get3A_16, %dot_general3A_17 {dimension_numbers = #tpu.dot_dimension_numbers<[1], [1], [0], [0], [0, 0, 1, 0], [], []>, transpose_lhs_hint = false} : vector<64x2048xf32>, vector<512x2048xf32>, vector<64x512xf32> -> vector<64x512xf32>
    %swap3A_19 = arith.constant 1 : index
    %swap3A_20 = arith.constant 0 : index
    %swap3A_21 = arith.constant 0 : index
    %swap3A_22 = vector.load %arg3[%swap3A_19, %swap3A_20, %swap3A_21] : memref<2x64x512xf32, #tpu.memory_space<vmem>>, vector<1x64x512xf32>
    %swap3A_23 = vector.shape_cast %swap3A_22 : vector<1x64x512xf32> to vector<64x512xf32>
    %swap3A_24 = vector.shape_cast %dot_general3A_18 : vector<64x512xf32> to vector<1x64x512xf32>
    tpu.vector_store %arg3[%swap3A_19, %swap3A_20, %swap3A_21], %swap3A_24 {strides = array<i32>} : memref<2x64x512xf32, #tpu.memory_space<vmem>>, vector<1x64x512xf32>,
    return
  }
  func.func @transform_0(%arg0: i32) -> (i32, i32) {
    %c0_i32 = arith.constant 0 : i32
    %c0_i32_0 = arith.constant 0 : i32
    %c0_i32_1 = arith.constant 0 : i32
    return %c0_i32, %c0_i32_0 : i32, i32
  }
  func.func @transform_1(%arg0: i32) -> (i32, i32) {
    %c0_i32 = arith.constant 0 : i32
    %c0_i32_0 = arith.constant 0 : i32
    return %arg0, %c0_i32 : i32, i32
  }
  func.func @transform_2(%arg0: i32) -> (i32, i32, i32) {
    %c0_i32 = arith.constant 0 : i32
    %c0_i32_0 = arith.constant 0 : i32
    %c0_i32_1 = arith.constant 0 : i32
    return %arg0, %c0_i32, %c0_i32_0 : i32, i32, i32
  }
}

</mosaic_0001>

<sc_bundles>
// kernel: kernel.5.cloned.1.call-start
scs
__scs_entry_jumppad:
0x0: {  	(pc) =	sbr.rel $0x88, $3  }
0x1: {  	(tag) =	ssettag $0x0;
	lr =	simm.s32 $0x1  }
0x2: {  	[smem:$0x3F9F] =	sst lr;
	_ =	strace $0xD0000000  }
0x3: {  	_ = 	snop  }
0x4: {  	_ = 	snop  }
0x5: {  	_ = 	snop  }
0x6: {  	_ = 	snop  }
0x7: {  	_ = 	snop  }
__scs_overlays_trampoline_lowered:
0x8: {  	[smem:$0x3FAE] =	sst s0  }
0x9: {  	[smem:$0x3FAF] =	sst s1  }
0xa: {  	[smem:$0x3FB0] =	sst s2  }
0xb: {  	[smem:$0x3FB1] =	sst s3  }
0xc: {  	[smem:$0x3FB2] =	sst s4  }
0xd: {  	[smem:$0x3FB3] =	sst s5  }
0xe: {  	[smem:$0x3FB4] =	sst s6  }
0xf: {  	[smem:$0x3FB5] =	sst s7  }
0x10: {  	[smem:$0x3FB6] =	sst s8  }
0x11: {  	[smem:$0x3FB7] =	sst s9;
	s0 =	simm.s32 @!p0 $0x0  }
0x12: {  	s1 =	sld [smem:$0x3F9D];
	s0 =	simm.s32 @p0 $0x1  }
0x13: {  	[smem:$0x3FB8] =	sst s0;
	s0 =	simm.s32 @!p1 $0x0  }
0x14: {  	s2 =	sld [smem:$0x3F9C];
	s0 =	simm.s32 @p1 $0x1  }
0x15: {  	[smem:$0x3FB9] =	sst s0;
	s0 =	simm.s32 @!p2 $0x0  }
0x16: {  	s3 =	sld [smem:$0x3FDB];
	s0 =	simm.s32 @p2 $0x1  }
0x17: {  	s4 =	simm.s32 $0x1BF5;
	[smem:$0x3FBB] =	sst s0  }
0x18: {  	s0 =	sld [smem:$0x3F9E];
	_ =	swait.ge [sflag:s4], $0x0  }
0x19: {  	s7 =	sld [smem:$0x3F9F]  }
0x1a: {  	s8 =	sadd.s32 $0xFFFFE003, lr  }
0x1b: {  	s9 =	sadd.s32 $0xFFFFFEF7, lr;
	s5 =	simm.s32 $0xFFFFFFFF;
	p2 =	slt.u32 s8, $0xFFFFF086  }
0x1c: {  	p1 =	slt.u32 s9, $0xF7A;
	s5 =	simm.s32 @!p2 $0x0  }
0x1d: {  	s5 =	simm.s32 @p1 $0x1;
	p0 =	seq.s32 s7, s2  }
0x1e: {  	s7 =	smul.u32 @!p0 $0xF7A, s2;
	p2 =	seq.s32 @!p0 s5, $0x0  }
0x1f: {  	s9 =	smul.u32 $0xF7A, s1;
	s8 =	simm.s32 @!p0 $0x1BF5;
	p2 =	por !p2, p0  }
0x20: {  	[sflag:s8] =	ssyncset.s32 @!p0 $0xFFFFF086;
	s6 =	sadd.s32 @!p0 s3, s7;
	s7 =	simm.s32 @!p0 $0x108  }
0x21: {  	s3 =	sadd.s32 s3, s9;
	s6 =	sadd.s32 @!p0 $0x88, s6;
	s7 =	simm.s32 @p2 $0x1082  }
0x22: {  	[simem:s7], [sflag:s8] =	dma.local @!p0 [hbm:s6], $0xF7A  }
0x23: {  	s9 =	sor.u32 $0xD0000000, s2;
	s6 =	simm.s32 $0x108;
	_ =	swait.ge @!p0 [sflag:s8], $0x0  }
0x24: {  	s3 =	sadd.s32 $0x88, s3;
	s6 =	simm.s32 @!p1 $0x1082;
	[sflag:s4] =	ssyncset.s32 $0xFFFFF086  }
0x25: {  	[simem:s6], [sflag:s4] =	dma.local [hbm:s3], $0xF7A  }
0x26: {  	[smem:$0x3F9F] =	sst s1;
	(tag) =	ssettag s2;
	_ =	strace s9  }
0x27: {  	s1 =	sld [smem:$0x3FAF]  }
0x28: {  	s2 =	sld [smem:$0x3FB0]  }
0x29: {  	s4 =	sld [smem:$0x3FB2]  }
0x2a: {  	p0 =	seq.s32 s5, $0x0;
	s5 =	sld [smem:$0x3FB3]  }
0x2b: {  	s6 =	sld [smem:$0x3FB4]  }
0x2c: {  	s7 =	sld [smem:$0x3FB5]  }
0x2d: {  	s3 =	simm.s32 $0x108;
	s8 =	sld [smem:$0x3FB6]  }
0x2e: {  	s3 =	simm.s32 @!p0 $0x1082;
	s9 =	sld [smem:$0x3FB7]  }
0x2f: {  	lr =	sadd.s32 s0, s3;
	s0 =	sld [smem:$0x3FAE]  }
0x30: {  	s3 =	sld [smem:$0x3FB1]  }
0x31: {  	[smem:$0x3FBA] =	sst s10  }
0x32: {  	s10 =	sld [smem:$0x3FB8];
	_ =	sdelay $0x3  }
0x33: {  	p0 =	seq.s32 s10, $0x1;
	s10 =	sld [smem:$0x3FBA];
	_ =	sdelay $0x3  }
0x34: {  	[smem:$0x3FBA] =	sst s10  }
0x35: {  	s10 =	sld [smem:$0x3FB9];
	_ =	sdelay $0x3  }
0x36: {  	p1 =	seq.s32 s10, $0x1;
	s10 =	sld [smem:$0x3FBA];
	_ =	sdelay $0x3  }
0x37: {  	[smem:$0x3FBA] =	sst s10  }
0x38: {  	s10 =	sld [smem:$0x3FBB]  }
0x39: {  	_ = 	snop;
	(pc) =	sbr.ind lr, $3  }
0x3a: {  	_ = 	snop  }
0x3b: {  	_ = 	snop  }
0x3c: {  	p2 =	seq.s32 s10, $0x1;
	s10 =	sld [smem:$0x3FBA]  }
0x3d: {  	_ =	shalt  }
0x3e: {  	_ =	shalt  }
0x3f: {  	_ =	shalt  }
0x40: {  	_ =	shalt  }
0x41: {  	_ =	shalt  }
0x42: {  	_ =	shalt  }
0x43: {  	_ =	shalt  }
0x44: {  	_ =	shalt  }
0x45: {  	_ =	shalt  }
0x46: {  	_ =	shalt  }
0x47: {  	_ =	shalt  }
0x48: {  	_ =	shalt  }
0x49: {  	_ =	shalt  }
0x4a: {  	_ =	shalt  }
0x4b: {  	_ =	shalt  }
0x4c: {  	_ =	shalt  }
0x4d: {  	_ =	shalt  }
0x4e: {  	_ =	shalt  }
0x4f: {  	_ =	shalt  }
0x50: {  	_ =	shalt  }
0x51: {  	_ =	shalt  }
0x52: {  	_ =	shalt  }
0x53: {  	_ =	shalt  }
0x54: {  	_ =	shalt  }
0x55: {  	_ =	shalt  }
0x56: {  	_ =	shalt  }
0x57: {  	_ =	shalt  }
0x58: {  	_ =	shalt  }
0x59: {  	_ =	shalt  }
0x5a: {  	_ =	shalt  }
0x5b: {  	_ =	shalt  }
0x5c: {  	_ =	shalt  }
0x5d: {  	_ =	shalt  }
0x5e: {  	_ =	shalt  }
0x5f: {  	_ =	shalt  }
0x60: {  	_ =	shalt  }
0x61: {  	_ =	shalt  }
0x62: {  	_ =	shalt  }
0x63: {  	_ =	shalt  }
0x64: {  	_ =	shalt  }
0x65: {  	_ =	shalt  }
0x66: {  	_ =	shalt  }
0x67: {  	_ =	shalt  }
0x68: {  	_ =	shalt  }
0x69: {  	_ =	shalt  }
0x6a: {  	_ =	shalt  }
0x6b: {  	_ =	shalt  }
0x6c: {  	_ =	shalt  }
0x6d: {  	_ =	shalt  }
0x6e: {  	_ =	shalt  }
0x6f: {  	_ =	shalt  }
0x70: {  	_ =	shalt  }
0x71: {  	_ =	shalt  }
0x72: {  	_ =	shalt  }
0x73: {  	_ =	shalt  }
0x74: {  	_ =	shalt  }
0x75: {  	_ =	shalt  }
0x76: {  	_ =	shalt  }
0x77: {  	_ =	shalt  }
0x78: {  	_ =	shalt  }
0x79: {  	_ =	shalt  }
0x7a: {  	_ =	shalt  }
0x7b: {  	_ =	shalt  }
0x7c: {  	_ =	shalt  }
0x7d: {  	_ =	shalt  }
0x7e: {  	_ =	shalt  }
0x7f: {  	_ =	shalt  }
0x80: {  	_ =	shalt  }
0x81: {  	_ =	shalt  }
0x82: {  	_ =	shalt  }
0x83: {  	_ =	shalt  }
0x84: {  	_ =	shalt  }
0x85: {  	_ =	shalt  }
0x86: {  	_ =	shalt  }
0x87: {  	_ =	shalt  }
.Lfunc_end0:
.L_simem_size_0:
called_computation_lowered:
.L_overlay_start_0:
0x88: {  	s2 =	sld [smem:$0x3FD9]  }
0x89: {  	s3 =	sld [smem:$0x3FFE];
	_ =	sdelay $0x1  }
0x8a: {  	s1 =	srdreg.scid  }
0x8b: {  	s0 =	sand.u32 $0x1, s1  }
0x8c: {  	s14 =	sshll.u32 s0, $0xA;
	s2 =	sadd.s32 s3, s2  }
0x8d: {  	s2 =	sadd.s32 s2, s14  }
0x8e: {  	[smem:$0x3FC6] =	sst s2  }
0x8f: {  	_ = 	snop  }
0x90: {  	s2 =	sld [smem:$0x3FD0];
	_ =	sdelay $0x2  }
0x91: {  	s15 =	simm.s32 $0xA;
	s4 =	simm.s32 $0x10  }
0x92: {  	[smem:s4], [sflag:s15] =	dma.local [hbm:s2], $0x1  }
0x93: {  	_ =	swait.eq [sflag:s15], $0x1  }
0x94: {  	[sflag:s15] =	ssyncset.done $0x0  }
0x95: {  	s16 =	sld [smem:$0x10];
	[sflag:s15] =	ssyncadd.s32 $0xFFFFFFFF  }
0x96: {  	s17 =	sld [smem:$0x11];
	(tm) =	ssettm $0x1  }
0x97: {  	s18 =	sld [smem:$0x3FFB];
	_ =	sdelay $0x3  }
0x98: {  	_ =	strace s18  }
0x99: {  	s4 =	sld [smem:$0x3FFC];
	_ =	sdelay $0x3  }
0x9a: {  	_ =	strace s4  }
0x9b: {  	s4 =	sld [smem:$0x3FFD];
	_ =	sdelay $0x3  }
0x9c: {  	_ =	strace s4  }
0x9d: {  	_ =	strace $0x8FFFFFFF  }
0x9e: {  	s19 =	sld [smem:$0x3FDB];
	_ =	sdelay $0x1  }
0x9f: {  	s5 =	simm.s32 $_scs_section_size  }
0xa0: {  	s6 =	simm.s32 $_size__tile_overlayer_lowered;
	s7 =	simm.s32 $_tile_overlayer_lowered  }
0xa1: {  	s22 =	simm.s32 $0x1BFF;
	s21 =	sshll.u32 s7, $0x1;
	s4 =	sadd.s32 s5, s19  }
0xa2: {  	s8 =	simm.s32 $0x0;
	s20 =	sshll.u32 s6, $0x1;
	s6 =	sadd.s32 s21, s4  }
0xa3: {  	[timem:s8], [sflag:s22] =	dma.local [hbm:s6], s20  }
0xa4: {  	_ =	swait.ge [sflag:s22], s20  }
0xa5: {  	s5 =	ssub.s32 $0x0, s20;
	[sflag:s22] =	ssyncset.done $0x0  }
0xa6: {  	[sflag:s22] =	ssyncadd.s32 s5;
	_ =	sdelay $0x1  }
0xa7: {  	s23 =	simm.s32 $0x1B8B  }
0xa8: {  	_ =	swait.ge [sflag:s23], $0x1  }
0xa9: {  	[sflag:s23] =	ssyncset.done $0x0  }
0xaa: {  	s25 =	simm.s32 $0x1B8E;
	s24 =	sld [smem:$0x3FFE];
	[sflag:s23] =	ssyncadd.s32 $0xFFFFFFFF  }
0xab: {  	s26 =	simm.s32 $execute0_lowered;
	[smem:$0x3FD2] =	sst s25  }
0xac: {  	s6 =	sshll.u32 s26, $0x1;
	_ =	strace $0x80000046;
	[dreg:$0x1] =	wrdreg $0xFFFFFFFF  }
0xad: {  	s28 =	simm.s32 $_size_execute0_lowered;
	s4 =	sadd.s32 s4, s6;
	[dreg:$0x0] =	wrdreg $0x0  }
0xae: {  	s6 =	sshll.u32 s28, $0x1;
	[dreg:$0x2] =	wrdreg s4  }
0xaf: {  	[dreg:$0x3] =	wrdreg s6  }
0xb0: {  	[dreg:$0x4] =	wrdreg $0xC0  }
0xb1: {  	_ =	task [dreg:s8], $0x5FFFF  }
0xb2: {  	[dreg:$0x1] =	wrdreg $0xFFFFFFFF  }
0xb3: {  	[dreg:$0x0] =	wrdreg $0x60  }
0xb4: {  	[dreg:$0x2] =	wrdreg s24  }
0xb5: {  	[dreg:$0x3] =	wrdreg s16  }
0xb6: {  	[dreg:$0x4] =	wrdreg s17  }
0xb7: {  	[dreg:$0x5] =	wrdreg $0x9  }
0xb8: {  	_ =	task.clear_ibuf [dreg:s8], $0x6FFFF;
	_ =	strace $0x90000046  }
0xb9: {  	s29 =	simm.s32 $0x9;
	_ =	strace $0x80000048  }
0xba: {  	_ =	swait.ge [sflag:s29], $0x1  }
0xbb: {  	[sflag:s29] =	ssyncadd.s32 $0xFFFFFFFF  }
0xbc: {  	_ =	strace $0x90000048  }
0xbd: {  	_ =	sfence  }
0xbe: {  	s30 =	sld [smem:$0x0];
	_ =	sdelay $0x2  }
0xbf: {  	s31 =	sshll.u32 s1, $0xD;
	s1 =	sshrl.u32 s1, $0x2  }
0xc0: {  	s3 =	sand.u32 $0x4000, s31;
	s1 =	sadd.s32 s1, s30  }
0xc1: {  	s0 =	sor.u32 s3, s0;
	s1 =	sshll.u32 s1, $0x11  }
0xc2: {  	s0 =	sor.u32 s1, s0  }
0xc3: {  	s0 =	sadd.s32 $0x8F2B, s0  }
0xc4: {  	[sflag:s0] =	ssyncadd.remote.s32 $0x1  }
0xc5: {  	_ =	sfence.sel $0xFFFF  }
0xc6: {  	[dreg:$0x0] =	wrdreg $0xFFFFFFFF;
	(pc) =	sbr.abs _section_cstart, $3  }
0xc7: {  	[dreg:$0x1] =	wrdreg $0xFFFFFFFF  }
0xc8: {  	_ =	task.clear_ibuf [dreg:s8], $0x2FFFF;
	_ =	strace $0x9FFFFFFF  }
0xc9: {  	(tm) =	ssettm $0x7FFFFFFF  }
tec
execute0_lowered:
.L_overlay_start_1:
0x0: {  	(tag) =	ssettag $0x1  }
0x1: {  	s3 =	rddreg [dreg:$0x0]  }
0x2: {  	s4 =	rddreg [dreg:$0x1]  }
0x3: {  	s5 =	rddreg [dreg:$0x2]  }
0x4: {  	s0 =	rddreg [dreg:$0x3];
	s6 =	srdreg.scid  }
0x5: {  	s1 =	stileid.u32;
	s2 =	simm.s32 $0x0;
	s9 =	simm.s32 $0x9000  }
0x6: {  	s10 =	simm.s32 $0x0;
	s6 =	sand.u32 $0x1, s6;
	s7 =	sshll.u32 s1, $0x1  }
0x7: {  	[smem:$0x7FF] =	sst s2;
	s7 =	sor.u32 s6, s7;
	s6 =	ssub.s32 $0x2, s6  }
0x8: {  	_ =	strace $0x80000047;
	s8 =	sshll.u32 s7, $0xC;
	s31 =	sshrl.u32 s6, $0x1  }
0x9: {  	s7 =	sshll.u32 s7, $0x9;
	s3 =	sadd.s32 s8, s3;
	s6 =	ssub.s32 s6, s31  }
0xa: {  	s4 =	sadd.s32 s4, s7;
	s5 =	sadd.s32 s5, s7;
	s7 =	simm.s32 $0x1  }
0xb: {  	s8 =	simm.s32 $0x8000;
	s3 =	sadd.s32 $0xA00, s3;
	s6 =	smax.u32 s6, $0x1  }
.LBB2_1:
0xc: {  	[tilespmem:s2], [sflag:$0x1] =	stream.linear.gather [hbm4b:s3+s2], $0x8000, $0x38;
	[tilespmem:$0xA000] =	vst v63  }
0xd: {  	_ =	swait.ge [sflag:s7], $0x8000  }
0xe: {  	[sflag:s7] =	ssyncset.done $0x0  }
0xf: {  	s11 =	simm.s32 $0x0;
	[sflag:s7] =	ssyncadd.s32 $0xFFFF8000  }
.LBB2_2:
0x10: {  	s12 =	sshll.u32 s11, $0x4  }
0x11: {  	s15 =	sand.u32 $0x70, s12  }
0x12: {  	v12 =	vmov s15  }
0x13: {  	s13 =	sshll.u32 s11, $0x7;
	s16 =	simm.s32 $0x0  }
0x14: {  	s14 =	sand.u32 $0xC00, s13;
	s17 =	sand.u32 $0x7000, s16  }
0x15: {  	s18 =	sand.u32 $0x380, s16;
	s17 =	sor.u32 s17, s14  }
0x16: {  	s17 =	sadd.s32 s18, s17  }
0x17: {  	v1 =	vld.idx.msk [tilespmem:v12+s17+$0x0 ss:$0x1], $0xffff  }
0x18: {  	s30 =	simm.s32 $0x200  }
0x19: {  	s31 =	sand.u32 $0x7000, s30;
	s17 =	simm.s32 $0x80  }
0x1a: {  	s18 =	sor.u32 s31, s14;
	s19 =	sand.u32 $0x380, s17  }
0x1b: {  	v10 =	vimm.f32 $-Inf;
	s18 =	sadd.s32 s19, s18  }
0x1c: {  	v20 =	vld.idx.msk [tilespmem:v12+s18+$0x0 ss:$0x1], $0xffff;
	vm0 =	vgt.f32 v1, v10  }
0x1d: {  	v2 =	vsel vm0, v10, v1  }
0x1e: {  	v0 =	vimm.s32 $0x0;
	vm1 =	vgt.f32 v2, v10  }
0x1f: {  	v21 =	vimm.f32 $-Inf;
	v19 =	vsel vm0, v1, v10;
	v3 =	vsel vm1, v10, v2  }
0x20: {  	v8 =	vsel vm0, s16, v0;
	v17 =	vsel vm1, v2, v10;
	vm2 =	vgt.f32 v3, v10  }
0x21: {  	v2 =	vnsel vm0, s16, v0;
	vm4 =	vgt.f32 v20, v19;
	v1 =	vsel vm2, v10, v3  }
0x22: {  	v6 =	vsel vm1, v2, v0;
	v16 =	vsel vm2, v3, v10;
	vm3 =	vgt.f32 v1, v10  }
0x23: {  	v3 =	vsel vm1, v0, v2;
	v14 =	vsel vm3, v1, v10;
	v1 =	vsel vm3, v10, v1  }
0x24: {  	v25 =	vsel vm4, v19, v20;
	v4 =	vsel vm2, v0, v3;
	vm5 =	vgt.f32 v1, v10  }
0x25: {  	v7 =	vsel vm2, v3, v0;
	v15 =	vsel vm5, v1, v10;
	v1 =	vsel vm5, v10, v1  }
0x26: {  	v3 =	vimm.s32 $0x0;
	v2 =	vsel vm3, v4, v0;
	vm1 =	vgt.f32 v1, v10  }
0x27: {  	v4 =	vsel vm3, v0, v4;
	vm3 =	vgt.f32 v25, v17;
	v22 =	vsel vm1, v10, v1  }
0x28: {  	v24 =	vsel vm3, v17, v25;
	v5 =	vsel vm5, v4, v0;
	vm0 =	vgt.f32 v22, v10  }
0x29: {  	v13 =	vsel vm5, v0, v4;
	v4 =	vimm.s32 $0x0;
	v23 =	vsel vm0, v10, v22  }
0x2a: {  	s19 =	simm.s32 $0x400;
	s18 =	simm.s32 $0x2;
	v11 =	vmovc v8;
	s16 =	simm.s32 $0x1;
	v9 =	vmovc v5;
	v18 =	vsel vm1, v1, v10;
	v1 =	vimm.s32 $0x0;
	vm2 =	vgt.f32 v23, v10  }
.LBB2_3:
0x2b: {  	s20 =	sand.u32 $0x7000, s19  }
0x2c: {  	p0 =	sne.s32 s18, $0x3F;
	v17 =	vsel vm3, v25, v17;
	s17 =	sadd.s32 $0x80, s17;
	v25 =	vsel vm1, v0, v13;
	v10 =	vsel vm2, v23, v10;
	s21 =	smov.u32 s18  }
0x2d: {  	s18 =	sadd.s32 $0x1, s18;
	v0 =	vsel vm1, v13, v0;
	v21 =	vsel vm0, v22, v21;
	s22 =	sand.u32 $0x380, s17;
	s20 =	sor.u32 s20, s14;
	v4 =	vsel vm0, v25, v4  }
0x2e: {  	v19 =	vsel vm4, v20, v19;
	vm5 =	vgt.f32 v24, v16;
	v13 =	vsel vm0, v3, v25;
	s20 =	sadd.s32 s22, s20;
	v3 =	vmovc v4  }
0x2f: {  	v22 =	vsel vm5, v16, v24;
	v16 =	vsel vm5, v24, v16;
	v1 =	vsel vm2, v13, v1;
	v20 =	vld.idx.msk [tilespmem:v12+s20+$0x0 ss:$0x1], $0xffff  }
0x30: {  	v8 =	vsel vm4, s16, v8;
	vm0 =	vgt.f32 v22, v14  }
0x31: {  	v13 =	vnsel vm4, s16, v11;
	v11 =	vmovc v8;
	s16 =	smov.u32 s21;
	v23 =	vsel vm0, v14, v22;
	v14 =	vsel vm0, v22, v14  }
0x32: {  	v22 =	vsel vm3, v6, v13;
	v6 =	vsel vm3, v13, v6;
	vm2 =	vgt.f32 v23, v15  }
0x33: {  	v13 =	vsel vm5, v7, v22;
	v24 =	vsel vm2, v15, v23;
	v15 =	vsel vm2, v23, v15  }
.Ltmp0:
0x34: {  	v26 =	vsel vm0, v2, v13;
	v2 =	vsel vm0, v13, v2;
	vm1 =	vgt.f32 v24, v18;
	(pc) =	sbr.rel @p0 .LBB2_3-.Ltmp0, $4  }
0x35: {  	v7 =	vsel vm5, v22, v7;
	v22 =	vsel vm1, v18, v24;
	vm4 =	vgt.f32 v20, v19  }
0x36: {  	v5 =	vsel vm2, v26, v5;
	vm0 =	vgt.f32 v22, v21;
	v25 =	vsel vm4, v19, v20  }
0x37: {  	v18 =	vsel vm1, v24, v18;
	v23 =	vsel vm0, v21, v22;
	vm3 =	vgt.f32 v25, v17  }
0x38: {  	s19 =	sadd.s32 $0x200, s19;
	v13 =	vsel vm2, v9, v26;
	v9 =	vmovc v5;
	vm2 =	vgt.f32 v23, v10;
	v24 =	vsel vm3, v17, v25  }
0x39: {  	v12 =	vsel vm4, v20, v19;
	vm10 =	vgt.f32 v24, v16;
	v17 =	vsel vm3, v25, v17  }
0x3a: {  	v21 =	vsel vm0, v22, v21;
	v10 =	vsel vm2, v23, v10;
	v20 =	vsub.f32 v12, v12  }
0x3b: {  	v63 =	vsel vm10, v16, v24;
	v17 =	vsub.f32 v17, v12;
	v26 =	vsel vm10, v24, v16  }
0x3c: {  	vm9 =	vgt.f32 v63, v14;
	v16 =	vsub.f32 v26, v12;
	v20 =	vmul.f32 $1.442695020e+00, v20  }
0x3d: {  	v25 =	vsel vm9, v14, v63;
	v17 =	vmul.f32 $1.442695020e+00, v17;
	v28 =	vsel vm9, v63, v14  }
0x3e: {  	vm8 =	vgt.f32 v25, v15;
	v14 =	vsub.f32 v28, v12;
	(erf) = vpow2.f32 v20  }
0x3f: {  	v16 =	vmul.f32 $1.442695020e+00, v16;
	v27 =	vsel vm8, v15, v25;
	(erf) = vpow2.f32 v17  }
0x40: {  	v30 =	vsel vm8, v25, v15;
	vm6 =	vgt.f32 v27, v18;
	v14 =	vmul.f32 $1.442695020e+00, v14  }
0x41: {  	v15 =	vsub.f32 v30, v12;
	v29 =	vsel vm6, v18, v27;
	(erf) = vpow2.f32 v16  }
0x42: {  	v31 =	vsel vm6, v27, v18;
	vm5 =	vgt.f32 v29, v21;
	(erf) = vpow2.f32 v14  }
0x43: {  	v33 =	vmul.f32 $1.442695020e+00, v15;
	v34 =	vsub.f32 v31, v12;
	v32 =	vsel vm5, v21, v29  }
0x44: {  	v35 =	vsel vm5, v29, v21;
	vm7 =	vgt.f32 v32, v10  }
0x45: {  	(erf) = vpow2.f32 v33;
	v36 =	vmul.f32 $1.442695020e+00, v34;
	v37 =	vsub.f32 v35, v12  }
0x46: {  	v10 =	vsel vm7, v32, v10  }
0x47: {  	v39 =	vmul.f32 $1.442695020e+00, v37;
	v10 =	vsub.f32 v10, v12;
	v38 =	vpop (erf);
	(erf) = vpow2.f32 v36  }
0x48: {  	v40 =	vpop (erf)  }
0x49: {  	v10 =	vmul.f32 $1.442695020e+00, v10;
	(erf) = vpow2.f32 v39;
	v41 =	vadd.f32 v40, v38  }
0x4a: {  	v42 =	vpop (erf)  }
0x4b: {  	(erf) = vpow2.f32 v10;
	v43 =	vadd.f32 v42, v41  }
0x4c: {  	v44 =	vpop (erf)  }
0x4d: {  	v10 =	vadd.f32 v44, v43  }
0x4e: {  	v45 =	vpop (erf)  }
0x4f: {  	v10 =	vadd.f32 v45, v10  }
0x50: {  	v46 =	vpop (erf)  }
0x51: {  	v10 =	vadd.f32 v46, v10  }
0x52: {  	v47 =	vpop (erf)  }
0x53: {  	v10 =	vadd.f32 v47, v10  }
0x54: {  	v48 =	vpop (erf)  }
0x55: {  	v10 =	vadd.f32 v48, v10;
	_ =	sdelay $0x1  }
0x56: {  	(erf) = vrcp.f32 v10;
	_ =	sdelay $0x8  }
0x57: {  	v10 =	vpop (erf)  }
0x58: {  	s15 =	sor.u32 s15, s14;
	v8 =	vsel vm4, s16, v8;
	v16 =	vmul.f32 v10, v38  }
0x59: {  	[tilespmem:s15+$0x9000] =	vst v8;
	v12 =	vmul.f32 v10, v40  }
0x5a: {  	v11 =	vnsel vm4, s16, v11;
	s19 =	sor.u32 $0x8080, s15;
	[tilespmem:s15+$0x8000] =	vst v16  }
0x5b: {  	v49 =	vsel vm3, v11, v6;
	s20 =	sor.u32 $0x9080, s15;
	v50 =	vmul.f32 v10, v42;
	[tilespmem:s19+$0x0] =	vst v12  }
0x5c: {  	v51 =	vsel vm3, v6, v11;
	s21 =	sor.u32 $0x8100, s15;
	[tilespmem:s20+$0x0] =	vst v49  }
0x5d: {  	s23 =	sor.u32 s14, s12;
	s22 =	sor.u32 $0x9100, s15;
	v52 =	vsel vm10, v51, v7;
	v53 =	vmul.f32 v10, v44;
	[tilespmem:s21+$0x0] =	vst v50  }
0x5e: {  	s14 =	sor.u32 $0x180, s23;
	v6 =	vsel vm10, v7, v51;
	[tilespmem:s22+$0x0] =	vst v52  }
0x5f: {  	v7 =	vsel vm9, v6, v2;
	v54 =	vmul.f32 v10, v45;
	[tilespmem:s14+$0x8000] =	vst v53  }
0x60: {  	s24 =	sor.u32 $0x8200, s15;
	v55 =	vsel vm9, v2, v6;
	[tilespmem:s14+$0x9000] =	vst v7  }
0x61: {  	s25 =	sor.u32 $0x9200, s15;
	v5 =	vsel vm8, v55, v5;
	v56 =	vmul.f32 v10, v46;
	[tilespmem:s24+$0x0] =	vst v54  }
0x62: {  	v57 =	vsel vm1, v13, v0;
	s11 =	sadd.s32 $0x1, s11;
	s26 =	sor.u32 $0x8280, s15;
	v2 =	vsel vm8, v9, v55;
	[tilespmem:s25+$0x0] =	vst v5  }
0x63: {  	v58 =	vsel vm1, v0, v13;
	s28 =	sor.u32 $0x9280, s15;
	p0 =	sne.s32 s11, $0x20;
	v59 =	vsel vm6, v2, v57;
	v60 =	vmul.f32 v10, v47;
	[tilespmem:s26+$0x0] =	vst v56  }
.Ltmp1:
0x64: {  	v4 =	vsel vm0, v58, v4;
	s29 =	sor.u32 $0x8300, s15;
	v2 =	vsel vm6, v57, v2;
	[tilespmem:s28+$0x0] =	vst v59;
	(pc) =	sbr.rel @p0 .LBB2_2-.Ltmp1, $4  }
0x65: {  	s31 =	sor.u32 s13, s12;
	v0 =	vsel vm0, v3, v58;
	s30 =	sor.u32 $0x9300, s15;
	v61 =	vsel vm5, v2, v4;
	v62 =	vmul.f32 v10, v48;
	[tilespmem:s29+$0x0] =	vst v60  }
0x66: {  	s12 =	sor.u32 $0x380, s31;
	v0 =	vsel vm2, v0, v1;
	v63 =	vsel vm5, v4, v2;
	[tilespmem:s30+$0x0] =	vst v61  }
0x67: {  	v0 =	vsel vm7, v63, v0;
	[tilespmem:s12+$0x8000] =	vst v62  }
0x68: {  	[tilespmem:s12+$0x9000] =	vst v0  }
0x69: {  	[hbm4b:s4+s2] =	stream.linear.scatter [tilespmem:s8], [sflag:$0x1], $0x1000, $0x38;
	[tilespmem:$0xA000] =	vst v63  }
0x6a: {  	s10 =	sadd.s32 $0x1, s10;
	_ =	swait.ge [sflag:s7], $0x1000  }
0x6b: {  	p0 =	sne.s32 s10, s6;
	[sflag:s7] =	ssyncset.done $0x0  }
.Ltmp2:
0x6c: {  	[sflag:s7] =	ssyncadd.s32 $0xFFFFF000;
	(pc) =	sbr.rel @p0 .LBB2_1-.Ltmp2, $4  }
0x6d: {  	[hbm4b:s5+s2] =	stream.linear.scatter [tilespmem:s9], [sflag:$0x1], $0x1000, $0x38;
	[tilespmem:$0xA000] =	vst v63  }
0x6e: {  	_ =	swait.ge [sflag:s7], $0x1000  }
0x6f: {  	[sflag:s7] =	ssyncset.done $0x0  }
0x70: {  	[sflag:s7] =	ssyncadd.s32 $0xFFFFF000  }
0x71: {  	_ =	sfence.sel $0x180000  }
0x72: {  	[bflag:$0x0] =	sbarrier.arrive $0xFFFF  }
0x73: {  	p0 =	sne.s32 s1, $0x0;
	_ =	strace $0x90000047  }
0x74: {  	s0 =	sadd.s32 @!p0 $0x100000, s0;
	[bflag:$0x2] =	sbarrier.arrive $0xFFFF  }
0x75: {  	[sflag:s0] =	ssyncadd.tile.s32 @!p0 $0x1;
	_ =	shalt  }
.Lfunc_end2:
_tile_overlayer_lowered:
.L_overlay_start_2:
0x76: {  	(tag) =	ssettag $0x2  }
0x77: {  	s0 =	rddreg [dreg:$0x0];
	s2 =	stileid.u32  }
0x78: {  	s1 =	rddreg [dreg:$0x1];
	p0 =	sne.s32 s2, $0x0  }
0x79: {  	s3 =	rddreg [dreg:$0x2];
	[bflag:$0x3] =	sbarrier.arrive $0xFFFF;
	s2 =	simm.s32 @!p0 $0x1C01  }
0x7a: {  	[timem:s3], [sflag:s2] =	dma.local @!p0 [hbm:s0], s1  }
0x7b: {  	s0 =	simm.s32 @!p0 $0x1  }
0x7c: {  	_ =	swait.ge @!p0 [sflag:s0], s1  }
0x7d: {  	s1 =	ssub.s32 @!p0 $0x0, s1;
	[sflag:s0] =	ssyncset.done @!p0 $0x0  }
0x7e: {  	[sflag:s0] =	ssyncadd.s32 @!p0 s1  }
0x7f: {  	[bflag:$0x3] =	sbarrier.arrive $0xFFFF  }
0x80: {  	_ =	shalt  }

</sc_bundles>
